<compile_context>
chip_gen: v7x
topology: tpu7x:2x2x1
jax: 0.10.2.dev20260603
libtpu: 0.0.44.dev20260713+nightly
codegen_flags: <defaults>
</compile_context>

<pallas_src>
import jax
import jax.numpy as jnp
from jax import lax
from jax.experimental import pallas as pl
from jax.experimental.pallas import tpu as pltpu

_LAYERS = 4
_SLICES = 384
_BLOCK_SLICES = 16
_GRID = _SLICES // _BLOCK_SLICES


def _apply_kernel(case_ref, p0_ref, p1_ref, x_ref, o_ref):
    o_ref[...] = x_ref[...]
    A = jnp.float32(1.0)
    B = jnp.float32(0.0)
    for j in range(_LAYERS):
        c = case_ref[j]
        a = p0_ref[j]
        b = p1_ref[j]
        A_c, B_c = A, B

        @pl.when(c == 1)
        def _():
            v = A_c * o_ref[...] + B_c
            o_ref[...] = v + a * jnp.sin(v)

        @pl.when(c == 2)
        def _():
            v = A_c * o_ref[...] + B_c
            o_ref[...] = a * jnp.tanh(v)

        is_aff = c == 0
        A = jnp.where(is_aff, a * A, 1.0)
        B = jnp.where(is_aff, a * B + b, 0.0)
    o_ref[...] = A * o_ref[...] + B


def kernel(image, probs_per_layer, magnitudes):
    logits = jnp.log(probs_per_layer + 1e-9)
    opers = lax.stop_gradient(
        jax.random.categorical(jax.random.key(42), logits, axis=-1))
    jidx = jnp.arange(_LAYERS)
    m0 = magnitudes[jidx, opers]
    m1 = magnitudes[jidx + _LAYERS, opers]
    k = opers % 8
    case = jnp.where(k == 4, 1, jnp.where(k == 6, 2, 0)).astype(jnp.int32)
    a = jnp.where(k == 2, 1.0 + m0,
        jnp.where(k == 3, -1.0,
        jnp.where(k == 5, m1,
        jnp.where(k == 7, 1.0 / (1.0 + jnp.abs(m1)), 1.0))))
    b = jnp.where((k == 1) | (k == 5), m0, jnp.where(k == 3, m1, 0.0))
    p0 = jnp.where(case == 1, m0, jnp.where(case == 2, 1.0 + m1, a))
    p1 = jnp.where(case == 0, b, 0.0)

    img2 = image.reshape(_SLICES, 224, 224)
    out = pl.pallas_call(
        _apply_kernel,
        grid=(_GRID,),
        in_specs=[
            pl.BlockSpec(memory_space=pltpu.SMEM),
            pl.BlockSpec(memory_space=pltpu.SMEM),
            pl.BlockSpec(memory_space=pltpu.SMEM),
            pl.BlockSpec((_BLOCK_SLICES, 224, 224), lambda i: (i, 0, 0)),
        ],
        out_specs=pl.BlockSpec((_BLOCK_SLICES, 224, 224), lambda i: (i, 0, 0)),
        out_shape=jax.ShapeDtypeStruct((_SLICES, 224, 224), jnp.float32),
    )(case, p0.astype(jnp.float32), p1.astype(jnp.float32), img2)
    return out.reshape(image.shape)

# --- scband reference (transcript-rebuilt; emitter-appended) ---
"""Pipeline reference for scband-random-apply-discrete-13022340841922 (READ-ONLY COPY).

The authoritative reference and input builder live on the scoring server;
editing this copy changes nothing except your own understanding.
"""

import jax, jax.numpy as jnp
import numpy as np
from jax import lax

OP_LAYERS = 4
N_OPS = 16


def _make_branch(k, m0, m1):
    k = k % 8
    if k == 0:
        return lambda x: x
    if k == 1:
        return lambda x: x + m0
    if k == 2:
        return lambda x: x * (1.0 + m0)
    if k == 3:
        return lambda x: m1 - x
    if k == 4:
        return lambda x: x + m0 * jnp.sin(x)
    if k == 5:
        return lambda x: x * m1 + m0
    if k == 6:
        return lambda x: jnp.tanh(x) * (1.0 + m1)
    return lambda x: x / (1.0 + jnp.abs(m1))


def setup_inputs(seed: int = 0):
    key = jax.random.key(seed)
    k1, k2, k3 = jax.random.split(key, 3)
    image = jax.random.normal(k1, (128, 3, 224, 224), dtype=jnp.float32)
    probs = jax.random.uniform(k2, (OP_LAYERS, N_OPS), dtype=jnp.float32) + 1e-3
    probs = probs / probs.sum(axis=-1, keepdims=True)
    magnitudes = jax.random.uniform(k3, (2 * OP_LAYERS, N_OPS), dtype=jnp.float32)
    return {"image": image, "probs_per_layer": probs, "magnitudes": magnitudes}


def reference(image, probs_per_layer, magnitudes):
    # opers = probs_per_layer.multinomial(1).squeeze() -> one categorical sample per layer
    key = jax.random.key(42)
    logits = jnp.log(probs_per_layer + 1e-9)
    opers = lax.stop_gradient(jax.random.categorical(key, logits, axis=-1))  # [OP_LAYERS]
    # sequentially apply the sampled op of each layer, parameterized by
    # magnitudes[j, i] and magnitudes[j + OP_LAYERS, i] (double_mag layout)
    for j in range(OP_LAYERS):
        branches = [_make_branch(i, magnitudes[j, i], magnitudes[j + OP_LAYERS, i]) for i in range(N_OPS)]
        image = lax.switch(opers[j], branches, image)
    return image

if __name__ == "__main__":
    import jax
    _d = setup_inputs()
    print(jax.jit(kernel)(*tuple(_d.values())))

</pallas_src>

<mosaic_0001>
module attributes {stable_mosaic.version = 14 : i64} {
  func.func @_apply_kernel(%arg0: i32, %arg1: memref<4xi32, #tpu.memory_space<smem>>, %arg2: memref<4xf32, #tpu.memory_space<smem>>, %arg3: memref<4xf32, #tpu.memory_space<smem>>, %arg4: memref<16x224x224xf32, #tpu.memory_space<vmem>>, %arg5: memref<16x224x224xf32, #tpu.memory_space<vmem>>) attributes {dimension_semantics = [#tpu.dimension_semantics<arbitrary>], iteration_bounds = array<i64: 24>, scalar_prefetch = 0 : i64, scratch_operands = 0 : i64, tpu.core_type = #tpu.core_type<tc>, window_params = [{transform_indices = @transform_0, window_bounds = array<i64: 4>}, {transform_indices = @transform_1, window_bounds = array<i64: 4>}, {transform_indices = @transform_2, window_bounds = array<i64: 4>}, {transform_indices = @transform_3, window_bounds = array<i64: 16, 224, 224>}, {transform_indices = @transform_4, window_bounds = array<i64: 16, 224, 224>}]} {
    %get3A = arith.constant 0 : index
    %get3A_0 = arith.constant 0 : index
    %get3A_1 = arith.constant 0 : index
    %get3A_2 = vector.load %arg4[%get3A, %get3A_0, %get3A_1] : memref<16x224x224xf32, #tpu.memory_space<vmem>>, vector<16x224x224xf32>
    %swap3A = arith.constant 0 : index
    %swap3A_3 = arith.constant 0 : index
    %swap3A_4 = arith.constant 0 : index
    %swap3A_5 = vector.load %arg5[%swap3A, %swap3A_3, %swap3A_4] : memref<16x224x224xf32, #tpu.memory_space<vmem>>, vector<16x224x224xf32>
    tpu.vector_store %arg5[%swap3A, %swap3A_3, %swap3A_4], %get3A_2 {strides = array<i32>} : memref<16x224x224xf32, #tpu.memory_space<vmem>>, vector<16x224x224xf32>,
    %get3A_6 = arith.constant 0 : index
    %get3A_7 = memref.load %arg1[%get3A_6] : memref<4xi32, #tpu.memory_space<smem>>
    %get3A_8 = arith.constant 0 : index
    %get3A_9 = memref.load %arg2[%get3A_8] : memref<4xf32, #tpu.memory_space<smem>>
    %get3A_10 = arith.constant 0 : index
    %get3A_11 = memref.load %arg3[%get3A_10] : memref<4xf32, #tpu.memory_space<smem>>
    %eq3A = arith.constant 1 : i32
    %eq3A_12 = arith.cmpi eq, %get3A_7, %eq3A : i32
    %convert_element_type3A = arith.extui %eq3A_12 : i1 to i32
    %cond3A = arith.constant 1.000000e+00 : f32
    %cond3A_13 = arith.constant 0.000000e+00 : f32
    %cond3A_14 = arith.constant 0 : i32
    %cond3A_15 = arith.cmpi ne, %convert_element_type3A, %cond3A_14 : i32
    scf.if %cond3A_15 {
      %get3A_117 = arith.constant 0 : index
      %get3A_118 = arith.constant 0 : index
      %get3A_119 = arith.constant 0 : index
      %get3A_120 = vector.load %arg5[%get3A_117, %get3A_118, %get3A_119] : memref<16x224x224xf32, #tpu.memory_space<vmem>>, vector<16x224x224xf32>
      %mul3A_121 = vector.broadcast %cond3A : f32 to vector<16x224x224xf32>
      %mul3A_122 = arith.mulf %mul3A_121, %get3A_120 : vector<16x224x224xf32>
      %add3A_123 = vector.broadcast %cond3A_13 : f32 to vector<16x224x224xf32>
      %add3A_124 = arith.addf %mul3A_122, %add3A_123 : vector<16x224x224xf32>
      %sin3A = math.sin %add3A_124 : vector<16x224x224xf32>
      %mul3A_125 = vector.broadcast %get3A_9 : f32 to vector<16x224x224xf32>
      %mul3A_126 = arith.mulf %mul3A_125, %sin3A : vector<16x224x224xf32>
      %add3A_127 = arith.addf %add3A_124, %mul3A_126 : vector<16x224x224xf32>
      %swap3A_128 = arith.constant 0 : index
      %swap3A_129 = arith.constant 0 : index
      %swap3A_130 = arith.constant 0 : index
      %swap3A_131 = vector.load %arg5[%swap3A_128, %swap3A_129, %swap3A_130] : memref<16x224x224xf32, #tpu.memory_space<vmem>>, vector<16x224x224xf32>
      tpu.vector_store %arg5[%swap3A_128, %swap3A_129, %swap3A_130], %add3A_127 {strides = array<i32>} : memref<16x224x224xf32, #tpu.memory_space<vmem>>, vector<16x224x224xf32>,
    } else {
    }
    %eq3A_16 = arith.constant 2 : i32
    %eq3A_17 = arith.cmpi eq, %get3A_7, %eq3A_16 : i32
    %convert_element_type3A_18 = arith.extui %eq3A_17 : i1 to i32
    %cond3A_19 = arith.constant 1.000000e+00 : f32
    %cond3A_20 = arith.constant 0.000000e+00 : f32
    %cond3A_21 = arith.constant 0 : i32
    %cond3A_22 = arith.cmpi ne, %convert_element_type3A_18, %cond3A_21 : i32
    scf.if %cond3A_22 {
      %get3A_117 = arith.constant 0 : index
      %get3A_118 = arith.constant 0 : index
      %get3A_119 = arith.constant 0 : index
      %get3A_120 = vector.load %arg5[%get3A_117, %get3A_118, %get3A_119] : memref<16x224x224xf32, #tpu.memory_space<vmem>>, vector<16x224x224xf32>
      %mul3A_121 = vector.broadcast %cond3A_19 : f32 to vector<16x224x224xf32>
      %mul3A_122 = arith.mulf %mul3A_121, %get3A_120 : vector<16x224x224xf32>
      %add3A_123 = vector.broadcast %cond3A_20 : f32 to vector<16x224x224xf32>
      %add3A_124 = arith.addf %mul3A_122, %add3A_123 : vector<16x224x224xf32>
      %tanh3A = math.tanh %add3A_124 : vector<16x224x224xf32>
      %mul3A_125 = vector.broadcast %get3A_9 : f32 to vector<16x224x224xf32>
      %mul3A_126 = arith.mulf %mul3A_125, %tanh3A : vector<16x224x224xf32>
      %swap3A_127 = arith.constant 0 : index
      %swap3A_128 = arith.constant 0 : index
      %swap3A_129 = arith.constant 0 : index
      %swap3A_130 = vector.load %arg5[%swap3A_127, %swap3A_128, %swap3A_129] : memref<16x224x224xf32, #tpu.memory_space<vmem>>, vector<16x224x224xf32>
      tpu.vector_store %arg5[%swap3A_127, %swap3A_128, %swap3A_129], %mul3A_126 {strides = array<i32>} : memref<16x224x224xf32, #tpu.memory_space<vmem>>, vector<16x224x224xf32>,
    } else {
    }
    %eq3A_23 = arith.constant 0 : i32
    %eq3A_24 = arith.cmpi eq, %get3A_7, %eq3A_23 : i32
    %mul3A = arith.constant 1.000000e+00 : f32
    %mul3A_25 = arith.mulf %get3A_9, %mul3A : f32
    %jit3A = arith.constant 1.000000e+00 : f32
    %select_n3A = arith.select %eq3A_24, %mul3A_25, %jit3A : f32
    %mul3A_26 = arith.constant 0.000000e+00 : f32
    %mul3A_27 = arith.mulf %get3A_9, %mul3A_26 : f32
    %add3A = arith.addf %mul3A_27, %get3A_11 : f32
    %jit3A_28 = arith.constant 0.000000e+00 : f32
    %select_n3A_29 = arith.select %eq3A_24, %add3A, %jit3A_28 : f32
    %get3A_30 = arith.constant 1 : index
    %get3A_31 = memref.load %arg1[%get3A_30] : memref<4xi32, #tpu.memory_space<smem>>
    %get3A_32 = arith.constant 1 : index
    %get3A_33 = memref.load %arg2[%get3A_32] : memref<4xf32, #tpu.memory_space<smem>>
    %get3A_34 = arith.constant 1 : index
    %get3A_35 = memref.load %arg3[%get3A_34] : memref<4xf32, #tpu.memory_space<smem>>
    %eq3A_36 = arith.constant 1 : i32
    %eq3A_37 = arith.cmpi eq, %get3A_31, %eq3A_36 : i32
    %convert_element_type3A_38 = arith.extui %eq3A_37 : i1 to i32
    %cond3A_39 = arith.constant 0 : i32
    %cond3A_40 = arith.cmpi ne, %convert_element_type3A_38, %cond3A_39 : i32
    scf.if %cond3A_40 {
      %get3A_117 = arith.constant 0 : index
      %get3A_118 = arith.constant 0 : index
      %get3A_119 = arith.constant 0 : index
      %get3A_120 = vector.load %arg5[%get3A_117, %get3A_118, %get3A_119] : memref<16x224x224xf32, #tpu.memory_space<vmem>>, vector<16x224x224xf32>
      %mul3A_121 = vector.broadcast %select_n3A : f32 to vector<16x224x224xf32>
      %mul3A_122 = arith.mulf %mul3A_121, %get3A_120 : vector<16x224x224xf32>
      %add3A_123 = vector.broadcast %select_n3A_29 : f32 to vector<16x224x224xf32>
      %add3A_124 = arith.addf %mul3A_122, %add3A_123 : vector<16x224x224xf32>
      %sin3A = math.sin %add3A_124 : vector<16x224x224xf32>
      %mul3A_125 = vector.broadcast %get3A_33 : f32 to vector<16x224x224xf32>
      %mul3A_126 = arith.mulf %mul3A_125, %sin3A : vector<16x224x224xf32>
      %add3A_127 = arith.addf %add3A_124, %mul3A_126 : vector<16x224x224xf32>
      %swap3A_128 = arith.constant 0 : index
      %swap3A_129 = arith.constant 0 : index
      %swap3A_130 = arith.constant 0 : index
      %swap3A_131 = vector.load %arg5[%swap3A_128, %swap3A_129, %swap3A_130] : memref<16x224x224xf32, #tpu.memory_space<vmem>>, vector<16x224x224xf32>
      tpu.vector_store %arg5[%swap3A_128, %swap3A_129, %swap3A_130], %add3A_127 {strides = array<i32>} : memref<16x224x224xf32, #tpu.memory_space<vmem>>, vector<16x224x224xf32>,
    } else {
    }
    %eq3A_41 = arith.constant 2 : i32
    %eq3A_42 = arith.cmpi eq, %get3A_31, %eq3A_41 : i32
    %convert_element_type3A_43 = arith.extui %eq3A_42 : i1 to i32
    %cond3A_44 = arith.constant 0 : i32
    %cond3A_45 = arith.cmpi ne, %convert_element_type3A_43, %cond3A_44 : i32
    scf.if %cond3A_45 {
      %get3A_117 = arith.constant 0 : index
      %get3A_118 = arith.constant 0 : index
      %get3A_119 = arith.constant 0 : index
      %get3A_120 = vector.load %arg5[%get3A_117, %get3A_118, %get3A_119] : memref<16x224x224xf32, #tpu.memory_space<vmem>>, vector<16x224x224xf32>
      %mul3A_121 = vector.broadcast %select_n3A : f32 to vector<16x224x224xf32>
      %mul3A_122 = arith.mulf %mul3A_121, %get3A_120 : vector<16x224x224xf32>
      %add3A_123 = vector.broadcast %select_n3A_29 : f32 to vector<16x224x224xf32>
      %add3A_124 = arith.addf %mul3A_122, %add3A_123 : vector<16x224x224xf32>
      %tanh3A = math.tanh %add3A_124 : vector<16x224x224xf32>
      %mul3A_125 = vector.broadcast %get3A_33 : f32 to vector<16x224x224xf32>
      %mul3A_126 = arith.mulf %mul3A_125, %tanh3A : vector<16x224x224xf32>
      %swap3A_127 = arith.constant 0 : index
      %swap3A_128 = arith.constant 0 : index
      %swap3A_129 = arith.constant 0 : index
      %swap3A_130 = vector.load %arg5[%swap3A_127, %swap3A_128, %swap3A_129] : memref<16x224x224xf32, #tpu.memory_space<vmem>>, vector<16x224x224xf32>
      tpu.vector_store %arg5[%swap3A_127, %swap3A_128, %swap3A_129], %mul3A_126 {strides = array<i32>} : memref<16x224x224xf32, #tpu.memory_space<vmem>>, vector<16x224x224xf32>,
    } else {
    }
    %eq3A_46 = arith.constant 0 : i32
    %eq3A_47 = arith.cmpi eq, %get3A_31, %eq3A_46 : i32
    %mul3A_48 = arith.mulf %get3A_33, %select_n3A : f32
    %jit3A_49 = arith.constant 1.000000e+00 : f32
    %select_n3A_50 = arith.select %eq3A_47, %mul3A_48, %jit3A_49 : f32
    %mul3A_51 = arith.mulf %get3A_33, %select_n3A_29 : f32
    %add3A_52 = arith.addf %mul3A_51, %get3A_35 : f32
    %jit3A_53 = arith.constant 0.000000e+00 : f32
    %select_n3A_54 = arith.select %eq3A_47, %add3A_52, %jit3A_53 : f32
    %get3A_55 = arith.constant 2 : index
    %get3A_56 = memref.load %arg1[%get3A_55] : memref<4xi32, #tpu.memory_space<smem>>
    %get3A_57 = arith.constant 2 : index
    %get3A_58 = memref.load %arg2[%get3A_57] : memref<4xf32, #tpu.memory_space<smem>>
    %get3A_59 = arith.constant 2 : index
    %get3A_60 = memref.load %arg3[%get3A_59] : memref<4xf32, #tpu.memory_space<smem>>
    %eq3A_61 = arith.constant 1 : i32
    %eq3A_62 = arith.cmpi eq, %get3A_56, %eq3A_61 : i32
    %convert_element_type3A_63 = arith.extui %eq3A_62 : i1 to i32
    %cond3A_64 = arith.constant 0 : i32
    %cond3A_65 = arith.cmpi ne, %convert_element_type3A_63, %cond3A_64 : i32
    scf.if %cond3A_65 {
      %get3A_117 = arith.constant 0 : index
      %get3A_118 = arith.constant 0 : index
      %get3A_119 = arith.constant 0 : index
      %get3A_120 = vector.load %arg5[%get3A_117, %get3A_118, %get3A_119] : memref<16x224x224xf32, #tpu.memory_space<vmem>>, vector<16x224x224xf32>
      %mul3A_121 = vector.broadcast %select_n3A_50 : f32 to vector<16x224x224xf32>
      %mul3A_122 = arith.mulf %mul3A_121, %get3A_120 : vector<16x224x224xf32>
      %add3A_123 = vector.broadcast %select_n3A_54 : f32 to vector<16x224x224xf32>
      %add3A_124 = arith.addf %mul3A_122, %add3A_123 : vector<16x224x224xf32>
      %sin3A = math.sin %add3A_124 : vector<16x224x224xf32>
      %mul3A_125 = vector.broadcast %get3A_58 : f32 to vector<16x224x224xf32>
      %mul3A_126 = arith.mulf %mul3A_125, %sin3A : vector<16x224x224xf32>
      %add3A_127 = arith.addf %add3A_124, %mul3A_126 : vector<16x224x224xf32>
      %swap3A_128 = arith.constant 0 : index
      %swap3A_129 = arith.constant 0 : index
      %swap3A_130 = arith.constant 0 : index
      %swap3A_131 = vector.load %arg5[%swap3A_128, %swap3A_129, %swap3A_130] : memref<16x224x224xf32, #tpu.memory_space<vmem>>, vector<16x224x224xf32>
      tpu.vector_store %arg5[%swap3A_128, %swap3A_129, %swap3A_130], %add3A_127 {strides = array<i32>} : memref<16x224x224xf32, #tpu.memory_space<vmem>>, vector<16x224x224xf32>,
    } else {
    }
    %eq3A_66 = arith.constant 2 : i32
    %eq3A_67 = arith.cmpi eq, %get3A_56, %eq3A_66 : i32
    %convert_element_type3A_68 = arith.extui %eq3A_67 : i1 to i32
    %cond3A_69 = arith.constant 0 : i32
    %cond3A_70 = arith.cmpi ne, %convert_element_type3A_68, %cond3A_69 : i32
    scf.if %cond3A_70 {
      %get3A_117 = arith.constant 0 : index
      %get3A_118 = arith.constant 0 : index
      %get3A_119 = arith.constant 0 : index
      %get3A_120 = vector.load %arg5[%get3A_117, %get3A_118, %get3A_119] : memref<16x224x224xf32, #tpu.memory_space<vmem>>, vector<16x224x224xf32>
      %mul3A_121 = vector.broadcast %select_n3A_50 : f32 to vector<16x224x224xf32>
      %mul3A_122 = arith.mulf %mul3A_121, %get3A_120 : vector<16x224x224xf32>
      %add3A_123 = vector.broadcast %select_n3A_54 : f32 to vector<16x224x224xf32>
      %add3A_124 = arith.addf %mul3A_122, %add3A_123 : vector<16x224x224xf32>
      %tanh3A = math.tanh %add3A_124 : vector<16x224x224xf32>
      %mul3A_125 = vector.broadcast %get3A_58 : f32 to vector<16x224x224xf32>
      %mul3A_126 = arith.mulf %mul3A_125, %tanh3A : vector<16x224x224xf32>
      %swap3A_127 = arith.constant 0 : index
      %swap3A_128 = arith.constant 0 : index
      %swap3A_129 = arith.constant 0 : index
      %swap3A_130 = vector.load %arg5[%swap3A_127, %swap3A_128, %swap3A_129] : memref<16x224x224xf32, #tpu.memory_space<vmem>>, vector<16x224x224xf32>
      tpu.vector_store %arg5[%swap3A_127, %swap3A_128, %swap3A_129], %mul3A_126 {strides = array<i32>} : memref<16x224x224xf32, #tpu.memory_space<vmem>>, vector<16x224x224xf32>,
    } else {
    }
    %eq3A_71 = arith.constant 0 : i32
    %eq3A_72 = arith.cmpi eq, %get3A_56, %eq3A_71 : i32
    %mul3A_73 = arith.mulf %get3A_58, %select_n3A_50 : f32
    %jit3A_74 = arith.constant 1.000000e+00 : f32
    %select_n3A_75 = arith.select %eq3A_72, %mul3A_73, %jit3A_74 : f32
    %mul3A_76 = arith.mulf %get3A_58, %select_n3A_54 : f32
    %add3A_77 = arith.addf %mul3A_76, %get3A_60 : f32
    %jit3A_78 = arith.constant 0.000000e+00 : f32
    %select_n3A_79 = arith.select %eq3A_72, %add3A_77, %jit3A_78 : f32
    %get3A_80 = arith.constant 3 : index
    %get3A_81 = memref.load %arg1[%get3A_80] : memref<4xi32, #tpu.memory_space<smem>>
    %get3A_82 = arith.constant 3 : index
    %get3A_83 = memref.load %arg2[%get3A_82] : memref<4xf32, #tpu.memory_space<smem>>
    %get3A_84 = arith.constant 3 : index
    %get3A_85 = memref.load %arg3[%get3A_84] : memref<4xf32, #tpu.memory_space<smem>>
    %eq3A_86 = arith.constant 1 : i32
    %eq3A_87 = arith.cmpi eq, %get3A_81, %eq3A_86 : i32
    %convert_element_type3A_88 = arith.extui %eq3A_87 : i1 to i32
    %cond3A_89 = arith.constant 0 : i32
    %cond3A_90 = arith.cmpi ne, %convert_element_type3A_88, %cond3A_89 : i32
    scf.if %cond3A_90 {
      %get3A_117 = arith.constant 0 : index
      %get3A_118 = arith.constant 0 : index
      %get3A_119 = arith.constant 0 : index
      %get3A_120 = vector.load %arg5[%get3A_117, %get3A_118, %get3A_119] : memref<16x224x224xf32, #tpu.memory_space<vmem>>, vector<16x224x224xf32>
      %mul3A_121 = vector.broadcast %select_n3A_75 : f32 to vector<16x224x224xf32>
      %mul3A_122 = arith.mulf %mul3A_121, %get3A_120 : vector<16x224x224xf32>
      %add3A_123 = vector.broadcast %select_n3A_79 : f32 to vector<16x224x224xf32>
      %add3A_124 = arith.addf %mul3A_122, %add3A_123 : vector<16x224x224xf32>
      %sin3A = math.sin %add3A_124 : vector<16x224x224xf32>
      %mul3A_125 = vector.broadcast %get3A_83 : f32 to vector<16x224x224xf32>
      %mul3A_126 = arith.mulf %mul3A_125, %sin3A : vector<16x224x224xf32>
      %add3A_127 = arith.addf %add3A_124, %mul3A_126 : vector<16x224x224xf32>
      %swap3A_128 = arith.constant 0 : index
      %swap3A_129 = arith.constant 0 : index
      %swap3A_130 = arith.constant 0 : index
      %swap3A_131 = vector.load %arg5[%swap3A_128, %swap3A_129, %swap3A_130] : memref<16x224x224xf32, #tpu.memory_space<vmem>>, vector<16x224x224xf32>
      tpu.vector_store %arg5[%swap3A_128, %swap3A_129, %swap3A_130], %add3A_127 {strides = array<i32>} : memref<16x224x224xf32, #tpu.memory_space<vmem>>, vector<16x224x224xf32>,
    } else {
    }
    %eq3A_91 = arith.constant 2 : i32
    %eq3A_92 = arith.cmpi eq, %get3A_81, %eq3A_91 : i32
    %convert_element_type3A_93 = arith.extui %eq3A_92 : i1 to i32
    %cond3A_94 = arith.constant 0 : i32
    %cond3A_95 = arith.cmpi ne, %convert_element_type3A_93, %cond3A_94 : i32
    scf.if %cond3A_95 {
      %get3A_117 = arith.constant 0 : index
      %get3A_118 = arith.constant 0 : index
      %get3A_119 = arith.constant 0 : index
      %get3A_120 = vector.load %arg5[%get3A_117, %get3A_118, %get3A_119] : memref<16x224x224xf32, #tpu.memory_space<vmem>>, vector<16x224x224xf32>
      %mul3A_121 = vector.broadcast %select_n3A_75 : f32 to vector<16x224x224xf32>
      %mul3A_122 = arith.mulf %mul3A_121, %get3A_120 : vector<16x224x224xf32>
      %add3A_123 = vector.broadcast %select_n3A_79 : f32 to vector<16x224x224xf32>
      %add3A_124 = arith.addf %mul3A_122, %add3A_123 : vector<16x224x224xf32>
      %tanh3A = math.tanh %add3A_124 : vector<16x224x224xf32>
      %mul3A_125 = vector.broadcast %get3A_83 : f32 to vector<16x224x224xf32>
      %mul3A_126 = arith.mulf %mul3A_125, %tanh3A : vector<16x224x224xf32>
      %swap3A_127 = arith.constant 0 : index
      %swap3A_128 = arith.constant 0 : index
      %swap3A_129 = arith.constant 0 : index
      %swap3A_130 = vector.load %arg5[%swap3A_127, %swap3A_128, %swap3A_129] : memref<16x224x224xf32, #tpu.memory_space<vmem>>, vector<16x224x224xf32>
      tpu.vector_store %arg5[%swap3A_127, %swap3A_128, %swap3A_129], %mul3A_126 {strides = array<i32>} : memref<16x224x224xf32, #tpu.memory_space<vmem>>, vector<16x224x224xf32>,
    } else {
    }
    %eq3A_96 = arith.constant 0 : i32
    %eq3A_97 = arith.cmpi eq, %get3A_81, %eq3A_96 : i32
    %mul3A_98 = arith.mulf %get3A_83, %select_n3A_75 : f32
    %jit3A_99 = arith.constant 1.000000e+00 : f32
    %select_n3A_100 = arith.select %eq3A_97, %mul3A_98, %jit3A_99 : f32
    %mul3A_101 = arith.mulf %get3A_83, %select_n3A_79 : f32
    %add3A_102 = arith.addf %mul3A_101, %get3A_85 : f32
    %jit3A_103 = arith.constant 0.000000e+00 : f32
    %select_n3A_104 = arith.select %eq3A_97, %add3A_102, %jit3A_103 : f32
    %get3A_105 = arith.constant 0 : index
    %get3A_106 = arith.constant 0 : index
    %get3A_107 = arith.constant 0 : index
    %get3A_108 = vector.load %arg5[%get3A_105, %get3A_106, %get3A_107] : memref<16x224x224xf32, #tpu.memory_space<vmem>>, vector<16x224x224xf32>
    %mul3A_109 = vector.broadcast %select_n3A_100 : f32 to vector<16x224x224xf32>
    %mul3A_110 = arith.mulf %mul3A_109, %get3A_108 : vector<16x224x224xf32>
    %add3A_111 = vector.broadcast %select_n3A_104 : f32 to vector<16x224x224xf32>
    %add3A_112 = arith.addf %mul3A_110, %add3A_111 : vector<16x224x224xf32>
    %swap3A_113 = arith.constant 0 : index
    %swap3A_114 = arith.constant 0 : index
    %swap3A_115 = arith.constant 0 : index
    %swap3A_116 = vector.load %arg5[%swap3A_113, %swap3A_114, %swap3A_115] : memref<16x224x224xf32, #tpu.memory_space<vmem>>, vector<16x224x224xf32>
    tpu.vector_store %arg5[%swap3A_113, %swap3A_114, %swap3A_115], %add3A_112 {strides = array<i32>} : memref<16x224x224xf32, #tpu.memory_space<vmem>>, vector<16x224x224xf32>,
    return
  }
  func.func @transform_0(%arg0: i32) -> i32 {
    %c0_i32 = arith.constant 0 : i32
    %c0_i32_0 = arith.constant 0 : i32
    return %c0_i32 : i32
  }
  func.func @transform_1(%arg0: i32) -> i32 {
    %c0_i32 = arith.constant 0 : i32
    %c0_i32_0 = arith.constant 0 : i32
    return %c0_i32 : i32
  }
  func.func @transform_2(%arg0: i32) -> i32 {
    %c0_i32 = arith.constant 0 : i32
    %c0_i32_0 = arith.constant 0 : i32
    return %c0_i32 : i32
  }
  func.func @transform_3(%arg0: i32) -> (i32, i32, i32) {
    %c0_i32 = arith.constant 0 : i32
    %c0_i32_0 = arith.constant 0 : i32
    %c0_i32_1 = arith.constant 0 : i32
    return %arg0, %c0_i32, %c0_i32_0 : i32, i32, i32
  }
  func.func @transform_4(%arg0: i32) -> (i32, i32, i32) {
    %c0_i32 = arith.constant 0 : i32
    %c0_i32_0 = arith.constant 0 : i32
    %c0_i32_1 = arith.constant 0 : i32
    return %arg0, %c0_i32, %c0_i32_0 : i32, i32, i32
  }
}

</mosaic_0001>

<sc_bundles>
// kernel: sparse-core-data-format-call.cloned.1.call-start
scs
called_computation_lowered:
.L_overlay_start_0:
0x0: {  	s2 =	sld [smem:$0x3FD9]  }
0x1: {  	s3 =	sld [smem:$0x3FFE];
	_ =	sdelay $0x1  }
0x2: {  	s1 =	srdreg.scid  }
0x3: {  	s0 =	sand.u32 $0x1, s1  }
0x4: {  	s18 =	sshll.u32 s0, $0xA;
	s2 =	sadd.s32 s3, s2  }
0x5: {  	s2 =	sadd.s32 s2, s18  }
0x6: {  	[smem:$0x3FC5] =	sst s2  }
0x7: {  	_ = 	snop  }
0x8: {  	s2 =	sld [smem:$0x3FD0];
	(tm) =	ssettm $0x1  }
0x9: {  	s19 =	sld [smem:$0x3FFB];
	_ =	sdelay $0x3  }
0xa: {  	_ =	strace s19  }
0xb: {  	s3 =	sld [smem:$0x3FFC];
	_ =	sdelay $0x3  }
0xc: {  	_ =	strace s3  }
0xd: {  	s3 =	sld [smem:$0x3FFD];
	_ =	sdelay $0x3  }
0xe: {  	_ =	strace s3  }
0xf: {  	_ =	strace $0x8FFFFFFF  }
0x10: {  	s20 =	sld [smem:$0x3FDB];
	_ =	sdelay $0x1  }
0x11: {  	s4 =	simm.s32 $_scs_section_size  }
0x12: {  	s5 =	simm.s32 $_size__tile_overlayer_lowered;
	s6 =	simm.s32 $_tile_overlayer_lowered  }
0x13: {  	s23 =	simm.s32 $0x1BFF;
	s22 =	sshll.u32 s6, $0x1;
	s3 =	sadd.s32 s4, s20  }
0x14: {  	s7 =	simm.s32 $0x0;
	s21 =	sshll.u32 s5, $0x1;
	s5 =	sadd.s32 s22, s3  }
0x15: {  	[timem:s7], [sflag:s23] =	dma.local [hbm:s5], s21  }
0x16: {  	_ =	swait.ge [sflag:s23], s21  }
0x17: {  	s4 =	ssub.s32 $0x0, s21;
	[sflag:s23] =	ssyncset.done $0x0  }
0x18: {  	[sflag:s23] =	ssyncadd.s32 s4;
	_ =	sdelay $0x1  }
0x19: {  	s24 =	simm.s32 $0x1B8B  }
0x1a: {  	_ =	swait.ge [sflag:s24], $0x1  }
0x1b: {  	[sflag:s24] =	ssyncset.done $0x0  }
0x1c: {  	s26 =	simm.s32 $0x1B8E;
	s25 =	sld [smem:$0x3FFE];
	[sflag:s24] =	ssyncadd.s32 $0xFFFFFFFF  }
0x1d: {  	s27 =	simm.s32 $execute0_lowered;
	[smem:$0x3FD2] =	sst s26  }
0x1e: {  	s5 =	sshll.u32 s27, $0x1;
	_ =	strace $0x80000046;
	[dreg:$0x1] =	wrdreg $0xFFFFFFFF  }
0x1f: {  	s28 =	simm.s32 $_size_execute0_lowered;
	s3 =	sadd.s32 s3, s5;
	[dreg:$0x0] =	wrdreg $0x0  }
0x20: {  	s5 =	sshll.u32 s28, $0x1;
	[dreg:$0x2] =	wrdreg s3  }
0x21: {  	[dreg:$0x3] =	wrdreg s5  }
0x22: {  	[dreg:$0x4] =	wrdreg $0xC0  }
0x23: {  	_ =	task [dreg:s7], $0x5FFFF  }
0x24: {  	[dreg:$0x1] =	wrdreg $0xFFFFFFFF  }
0x25: {  	[dreg:$0x0] =	wrdreg $0x60  }
0x26: {  	[dreg:$0x2] =	wrdreg s25  }
0x27: {  	[dreg:$0x3] =	wrdreg s2  }
0x28: {  	[dreg:$0x4] =	wrdreg $0x9  }
0x29: {  	_ =	task.clear_ibuf [dreg:s7], $0x5FFFF;
	_ =	strace $0x90000046  }
0x2a: {  	s29 =	simm.s32 $0x9;
	_ =	strace $0x80000048  }
0x2b: {  	_ =	swait.ge [sflag:s29], $0x1  }
0x2c: {  	[sflag:s29] =	ssyncadd.s32 $0xFFFFFFFF  }
0x2d: {  	_ =	strace $0x90000048  }
0x2e: {  	_ =	sfence  }
0x2f: {  	s30 =	sld [smem:$0x0];
	_ =	sdelay $0x2  }
0x30: {  	s31 =	sshll.u32 s1, $0xD;
	s1 =	sshrl.u32 s1, $0x2  }
0x31: {  	s3 =	sand.u32 $0x4000, s31;
	s1 =	sadd.s32 s1, s30  }
0x32: {  	s0 =	sor.u32 s3, s0;
	s1 =	sshll.u32 s1, $0x11  }
0x33: {  	s0 =	sor.u32 s1, s0  }
0x34: {  	s0 =	sadd.s32 $0x8F2B, s0  }
0x35: {  	[sflag:s0] =	ssyncadd.remote.s32 $0x1  }
0x36: {  	_ =	sfence.sel $0xFFFF  }
0x37: {  	[dreg:$0x0] =	wrdreg $0xFFFFFFFF;
	(pc) =	sbr.abs _section_cstart, $3  }
0x38: {  	[dreg:$0x1] =	wrdreg $0xFFFFFFFF  }
0x39: {  	_ =	task.clear_ibuf [dreg:s7], $0x2FFFF;
	_ =	strace $0x9FFFFFFF  }
0x3a: {  	(tm) =	ssettm $0x7FFFFFFF  }
0x3b: {  	_ =	shalt  }
tec
execute0_lowered:
.L_overlay_start_1:
0x0: {  	(tag) =	ssettag $0x1  }
0x1: {  	s1 =	rddreg [dreg:$0x0]  }
0x2: {  	s2 =	rddreg [dreg:$0x1]  }
0x3: {  	s0 =	rddreg [dreg:$0x2];
	_ =	strace $0x80000047;
	s4 =	srdreg.scid  }
0x4: {  	s6 =	simm.s32 $0x2;
	s15 =	simm.s32 $0x0;
	p0 =	por $0x0, $0x0  }
0x5: {  	s17 =	simm.s32 $0x0;
	s18 =	simm.s32 $0x0;
	s16 =	simm.s32 $0x0  }
0x6: {  	s7 =	simm.s32 $0x0;
	s9 =	simm.s32 $0x0;
	s10 =	simm.s32 $0x0  }
.Ltmp0:
0x7: {  	s11 =	simm.s32 $0x0;
	s13 =	simm.s32 $0x0;
	(pc) =	sbr.rel .LBB1_1-.Ltmp0, $4  }
0x8: {  	s14 =	simm.s32 $0x0;
	s3 =	sadd.s32 $0x2A0000, s1;
	s5 =	sshll.u32 s4, $0x4  }
0x9: {  	s1 =	stileid.u32;
	s4 =	simm.s32 $0x1;
	s5 =	sand.u32 $0x10, s5  }
0xa: {  	s8 =	simm.s32 $0x0;
	[sflag:s4] =	ssyncpa.u1 $0x0;
	s5 =	sor.u32 s1, s5  }
0xb: {  	[sflag:s6] =	ssyncpa.u1 $0x0;
	s6 =	simm.s32 $0x0;
	s12 =	smov.u32 s5  }
.LBB1_5:
0xc: {  	p1 =	slt.u32 s8, $0x2;
	s19 =	smov.u32 s18  }
0xd: {  	s22 =	smov.u32 s14;
	s8 =	sadd.s32 $0x1, s8;
	p2 =	sgt.s32 @!p1 s18, $0x2  }
0xe: {  	s20 =	sshra.s32 @!p1 s18, $0x1F;
	p3 =	sgt.s32 @!p1 s15, $0x60;
	p2 =	por !p2, p1  }
0xf: {  	s18 =	sand.u32 @!p1 s20, s18;
	s20 =	sshra.s32 @!p1 s17, $0x1F;
	s19 =	simm.s32 @p2 $0x2  }
0x10: {  	p3 =	por !p3, p1;
	p2 =	sgt.s32 @!p1 s17, $0xDF;
	s18 =	ssub.s32 @!p1 s19, s18  }
0x11: {  	p2 =	por !p2, p1;
	s19 =	smov.u32 s17;
	s17 =	sand.u32 @!p1 s20, s17  }
0x12: {  	s20 =	sadd.s32 @!p1 $0xFFFFFFFE, s18;
	s19 =	simm.s32 @p2 $0xDF;
	s18 =	ssub.s32 @!p1 $0x3, s18  }
0x13: {  	p2 =	sgt.s32 @!p1 s20, $0x0;
	s17 =	ssub.s32 @!p1 s19, s17;
	s20 =	smov.u32 s15  }
0x14: {  	p2 =	por !p2, p1;
	s19 =	sadd.s32 @!p1 $0xFFFFFF21, s17;
	s17 =	ssub.s32 @!p1 $0xE0, s17  }
0x15: {  	s18 =	simm.s32 @!p2 $0x0;
	p2 =	sgt.s32 @!p1 s19, $0x0;
	s19 =	sshra.s32 @!p1 s15, $0x1F  }
0x16: {  	s15 =	sand.u32 @!p1 s19, s15;
	s19 =	ssub.s32 @!p1 $0x0, s16;
	p2 =	por !p2, p1  }
0x17: {  	s20 =	simm.s32 @p3 $0x60;
	s16 =	smin.u32 @!p1 s16, s19;
	s17 =	simm.s32 @!p2 $0x0  }
0x18: {  	s15 =	ssub.s32 @!p1 s20, s15;
	s20 =	smov.u32 s12;
	p2 =	sgt.s32 @!p1 s16, $0x7F  }
0x19: {  	s19 =	sadd.s32 @!p1 $0xFFFFFFA0, s15;
	s16 =	ssub.s32 @!p1 $0x80, s16;
	p2 =	por !p2, p1  }
0x1a: {  	p3 =	sgt.s32 @!p1 s19, $0x7F;
	s19 =	sadd.s32 $0x80, s11;
	s16 =	simm.s32 @!p2 $0x0  }
0x1b: {  	p2 =	sgt.s32 s19, $0xDF;
	s16 =	smul.u32 @!p1 s16, s18;
	s18 =	sadd.s32 $0x20, s12  }
0x1c: {  	p0 =	por !p0, !p0;
	s23 =	simm.s32 @!p1 $0x2;
	s20 =	smov.u32 @p2 s18  }
0x1d: {  	s16 =	smul.u32 @!p1 s17, s16;
	p4 =	sgt.s32 s20, $0xDF;
	s17 =	simm.s32 $0x1  }
0x1e: {  	s15 =	ssub.s32 @!p1 $0xE0, s15;
	p3 =	por !p3, p1;
	s17 =	simm.s32 @!p4 $0x0  }
0x1f: {  	s15 =	simm.s32 @!p3 $0x0;
	s19 =	simm.s32 @p2 $0x0;
	s21 =	sadd.s32 s17, s13  }
0x20: {  	s15 =	smul.u32 @!p1 s15, s16;
	s16 =	sadd.s32 $0x80, s14;
	p2 =	sgt.s32 s21, $0x2  }
0x21: {  	s18 =	smov.u32 s9;
	s9 =	smov.u32 s13;
	s22 =	smov.u32 @p2 s16  }
0x22: {  	s20 =	smov.u32 @p4 s5;
	s21 =	simm.s32 @p2 $0x0;
	p2 =	sgt.s32 s22, $0x7F  }
0x23: {  	s17 =	smov.u32 s7;
	s22 =	simm.s32 @p2 $0x0;
	p2 =	sne.s32 s8, $0x2C  }
.Ltmp1:
0x24: {  	s7 =	smov.u32 s12;
	s12 =	smov.u32 s20;
	(pc) =	sbr.rel @!p2 .LBB1_6-.Ltmp1, $4  }
0x25: {  	s15 =	sand.u32 @!p1 $0x3FFFFFFF, s15;
	s16 =	smov.u32 s10;
	s10 =	smov.u32 s14  }
0x26: {  	_ =	swait.ge @!p1 [sflag:s23], s15;
	s24 =	ssub.s32 @!p1 $0x0, s15;
	s15 =	smov.u32 s6  }
0x27: {  	s6 =	smov.u32 s11;
	s11 =	smov.u32 s19;
	[sflag:s23] =	ssyncset.done @!p1 $0x0  }
0x28: {  	s13 =	smov.u32 s21;
	[sflag:s23] =	ssyncadd.s32 @!p1 s24;
	s14 =	smov.u32 s22  }
.LBB1_1:
0x29: {  	p1 =	sgt.u32 s8, $0x29  }
0x2a: {  	s19 =	sshll.u32 @!p1 s12, $0x8;
	s20 =	sshll.u32 @!p1 s11, $0x3  }
0x2b: {  	s21 =	sshll.u32 @!p1 s12, $0x7;
	s19 =	sand.u32 @!p1 $0xFFFFF800, s19;
	s20 =	sand.u32 @!p1 $0xFFFFFC00, s20  }
0x2c: {  	s19 =	sadd.s32 @!p1 s19, s20;
	s20 =	sand.u32 @!p1 $0x300, s21  }
0x2d: {  	s19 =	sor.u32 @!p1 s20, s19  }
0x2e: {  	s19 =	sshrl.u32 @!p1 s19, $0x8  }
0x2f: {  	s20 =	smulhi.u32 @!p1 $0x124924A, s19  }
0x30: {  	s22 =	sxor.u32 @!p1 $0xFFFFFFFF, s8;
	s24 =	smul.u32 @!p1 $0x5400, s14  }
0x31: {  	s23 =	sand.u32 @!p1 $0x78, s11;
	s21 =	sand.u32 @!p1 $0x80, s21;
	s20 =	smul.u32 @!p1 $0xE0, s20  }
0x32: {  	s22 =	sshll.u32 @!p1 s22, $0xE;
	s21 =	sor.u32 @!p1 s23, s21;
	s23 =	smul.u32 @!p1 $0x1C00, s13  }
0x33: {  	s19 =	ssub.s32 @!p1 s19, s20;
	s20 =	sand.u32 @!p1 $0x4000, s22;
	s22 =	sadd.s32 @!p1 s3, s24  }
0x34: {  	s21 =	sshrl.u32 @!p1 s21, $0x3;
	s22 =	sadd.s32 @!p1 s23, s22;
	s23 =	sand.u32 @!p1 $0x7, s11  }
0x35: {  	s19 =	sshll.u32 @!p1 s19, $0x5;
	s21 =	sadd.s32 @!p1 s21, s22;
	s22 =	sshll.u32 @!p1 s23, $0x12  }
0x36: {  	s19 =	sadd.s32 @!p1 s19, s21;
	s21 =	sor.u32 @!p1 $0x80, s22;
	s22 =	simm.s32 @!p1 $0x2A000  }
0x37: {  	[tilespmem:s20], [sflag:$0x1] =	stream.strided.gather @!p1 [hbm4b:s19+s21], $0x4000, s22, s21, $0x38;
	[tilespmem:$0x10100] =	vst v63  }
0x38: {  	p1 =	seq.s32 s8, $0x0  }
0x39: {  	p2 =	seq.s32 @!p1 s8, $0x2B  }
0x3a: {  	p1 =	por p1, p2  }
.Ltmp2:
0x3b: {  	_ = 	snop;
	(pc) =	sbr.rel @p1 .LBB1_5-.Ltmp2, $1  }
0x3c: {  	_ =	sdelay $0x3  }
0x3d: {  	s19 =	simm.s32 $0x1  }
0x3e: {  	_ =	swait.ge [sflag:s4], $0x4000;
	s19 =	simm.s32 @!p0 $0x0  }
0x3f: {  	[sflag:s4] =	ssyncset.done $0x0;
	s20 =	sshll.u32 s19, $0xE  }
0x40: {  	[sflag:s4] =	ssyncadd.s32 $0xFFFFC000;
	s20 =	sor.u32 $0x40, s20  }
0x41: {  	s19 =	smul.u32 $0x10200, s19;
	v0 =	vld [tilespmem:s20+$0x30]  }
0x42: {  	v1 =	vld [tilespmem:s20+$0xFFFFFFD0]  }
0x43: {  	s19 =	sshrl.u32 s19, $0x2;
	v5 =	vld [tilespmem:s20+$0xFFFFFFE0]  }
0x44: {  	v6 =	vld [tilespmem:s20+$0xFFFFFFF0];
	s22 =	sor.u32 $0x8000, s19  }
0x45: {  	s31 =	sand.u32 $0x1, s8;
	v4 =	vld [tilespmem:s20+$0x0];
	s21 =	sadd.s32 $0x0, s22  }
0x46: {  	v3 =	vld [tilespmem:s20+$0x10];
	s19 =	smul.u32 $0x10200, s31;
	[tilespmem:s21+$0x3870 ss:$0x81] =	vst.msk $0xffff, v0  }
0x47: {  	v2 =	vld [tilespmem:s20+$0x20];
	[tilespmem:s21+$0x810 ss:$0x81] =	vst.msk $0xffff, v1  }
0x48: {  	s19 =	sshrl.u32 s19, $0x2;
	v1 =	vld [tilespmem:s20+$0xFFFFFFC0];
	[tilespmem:s21+$0x1020 ss:$0x81] =	vst.msk $0xffff, v5;
	s20 =	sadd.s32 $0x80, s20  }
0x49: {  	s23 =	simm.s32 $0x4;
	s24 =	simm.s32 $0x8;
	s19 =	sor.u32 $0x8000, s19;
	[tilespmem:s21+$0x1830 ss:$0x81] =	vst.msk $0xffff, v6;
	v0 =	vld [tilespmem:s20+$0x30]  }
.LBB1_3:
0x4a: {  	p1 =	sne.s32 s24, $0x1FC;
	v5 =	vld [tilespmem:s20+$0xFFFFFFD0];
	[tilespmem:s21+$0x2040 ss:$0x81] =	vst.msk $0xffff, v4  }
0x4b: {  	v6 =	vld [tilespmem:s20+$0xFFFFFFE0];
	[tilespmem:s21+$0x2850 ss:$0x81] =	vst.msk $0xffff, v3  }
0x4c: {  	s25 =	sshra.s32 s23, $0x2;
	s23 =	smov.u32 s24;
	v7 =	vld [tilespmem:s20+$0xFFFFFFF0];
	[tilespmem:s21+$0x3060 ss:$0x81] =	vst.msk $0xffff, v2  }
.Ltmp3:
0x4d: {  	v4 =	vld [tilespmem:s20+$0x0];
	[tilespmem:s21+$0x0 ss:$0x81] =	vst.msk $0xffff, v1;
	s21 =	sadd.s32 s25, s22;
	(pc) =	sbr.rel @p1 .LBB1_3-.Ltmp3, $4  }
0x4e: {  	v3 =	vld [tilespmem:s20+$0x10];
	[tilespmem:s21+$0x3870 ss:$0x81] =	vst.msk $0xffff, v0  }
0x4f: {  	[tilespmem:s21+$0x810 ss:$0x81] =	vst.msk $0xffff, v5;
	v2 =	vld [tilespmem:s20+$0x20]  }
0x50: {  	v1 =	vld [tilespmem:s20+$0xFFFFFFC0];
	[tilespmem:s21+$0x1020 ss:$0x81] =	vst.msk $0xffff, v6;
	s20 =	sadd.s32 $0x80, s20  }
0x51: {  	s24 =	sadd.s32 $0x4, s24;
	v0 =	vld [tilespmem:s20+$0x30];
	[tilespmem:s21+$0x1830 ss:$0x81] =	vst.msk $0xffff, v7  }
0x52: {  	s24 =	sshll.u32 s6, $0x7;
	s25 =	sshll.u32 s10, $0x3  }
0x53: {  	s23 =	sshra.s32 s23, $0x2;
	p1 =	sgt.s32 s9, $0x2;
	s29 =	sshra.s32 s9, $0x1F  }
0x54: {  	p2 =	sgt.s32 s7, $0xDF;
	s27 =	smov.u32 s7;
	s28 =	sshra.s32 s7, $0x1F  }
0x55: {  	s31 =	sshra.s32 s6, $0x1F;
	s26 =	sand.u32 $0xFFFFFC00, s24;
	s25 =	sand.u32 $0xFFFFFC00, s25  }
0x56: {  	s24 =	sand.u32 $0x380, s24;
	s22 =	sadd.s32 s23, s22;
	s25 =	sadd.s32 s25, s26  }
0x57: {  	s27 =	simm.s32 @!p2 $0xDF;
	s24 =	sor.u32 s24, s25;
	s25 =	smov.u32 s9  }
0x58: {  	s30 =	sand.u32 s28, s7;
	s26 =	sand.u32 s29, s9;
	s25 =	simm.s32 @!p1 $0x2  }
0x59: {  	p2 =	sgt.s32 s6, $0x60;
	s28 =	sand.u32 s31, s6;
	s25 =	ssub.s32 s25, s26  }
0x5a: {  	s31 =	smul.u32 $0xC4000, s9;
	s24 =	sshrl.u32 s24, $0x7;
	s26 =	sadd.s32 $0xFFFFFFFE, s25  }
0x5b: {  	s23 =	smulhi.u32 $0x2492493, s24;
	p1 =	sgt.s32 s26, $0x0;
	s26 =	ssub.s32 s27, s30  }
0x5c: {  	v5 =	vld [tilespmem:s20+$0xFFFFFFD0];
	[tilespmem:s21+$0x2040 ss:$0x81] =	vst.msk $0xffff, v4;
	s25 =	ssub.s32 $0x3, s25;
	s27 =	smov.u32 s6;
	s29 =	sadd.s32 $0xFFFFFF21, s26  }
0x5d: {  	v58 =	vld [tilespmem:s20+$0xFFFFFFE0];
	[tilespmem:s21+$0x2850 ss:$0x81] =	vst.msk $0xffff, v3;
	s27 =	simm.s32 @!p2 $0x60;
	p2 =	sgt.s32 s29, $0x0;
	s29 =	ssub.s32 $0x0, s10  }
0x5e: {  	v59 =	vld [tilespmem:s20+$0xFFFFFFF0];
	[tilespmem:s21+$0x3060 ss:$0x81] =	vst.msk $0xffff, v2;
	s23 =	sshrl.u32 s23, $0x1;
	s27 =	ssub.s32 s27, s28;
	s28 =	smin.u32 s10, s29  }
0x5f: {  	v60 =	vld [tilespmem:s20+$0x0];
	[tilespmem:s21+$0x0 ss:$0x81] =	vst.msk $0xffff, v1;
	s25 =	simm.s32 @p1 $0x0;
	p1 =	sgt.s32 s28, $0x7F;
	s21 =	ssub.s32 $0x80, s28  }
0x60: {  	v61 =	vld [tilespmem:s20+$0x10];
	[tilespmem:s22+$0x3870 ss:$0x81] =	vst.msk $0xffff, v0;
	s23 =	smul.u32 $0xE0, s23;
	s26 =	ssub.s32 $0xE0, s26;
	s21 =	simm.s32 @p1 $0x0  }
0x61: {  	v62 =	vld [tilespmem:s20+$0x20];
	[tilespmem:s22+$0x810 ss:$0x81] =	vst.msk $0xffff, v5;
	s26 =	simm.s32 @p2 $0x0;
	s30 =	sadd.s32 $0xFFFFFFA0, s27;
	s21 =	smul.u32 s21, s25  }
0x62: {  	v63 =	vld [tilespmem:s20+$0xFFFFFFC0];
	[tilespmem:s22+$0x1020 ss:$0x81] =	vst.msk $0xffff, v58;
	s20 =	ssub.s32 $0xE0, s27;
	s29 =	smul.u32 $0xE00, s7;
	p1 =	sgt.s32 s30, $0x7F  }
0x63: {  	[tilespmem:s22+$0x1830 ss:$0x81] =	vst.msk $0xffff, v59;
	s28 =	sshrl.u32 s10, $0x3;
	s20 =	simm.s32 @p1 $0x0;
	s21 =	smul.u32 s26, s21  }
.Ltmp4:
0x64: {  	[tilespmem:s22+$0x2040 ss:$0x81] =	vst.msk $0xffff, v60;
	s25 =	sadd.s32 s2, s31;
	s26 =	sand.u32 $0xF, s28;
	(pc) =	sbr.rel .LBB1_5-.Ltmp4, $4  }
0x65: {  	[tilespmem:s22+$0x2850 ss:$0x81] =	vst.msk $0xffff, v61;
	s23 =	ssub.s32 s24, s23;
	s30 =	sadd.s32 s26, s25;
	s20 =	smul.u32 s20, s21  }
0x66: {  	[tilespmem:s22+$0x3060 ss:$0x81] =	vst.msk $0xffff, v62;
	s23 =	sshll.u32 s23, $0x4;
	s21 =	sadd.s32 s29, s30  }
0x67: {  	[tilespmem:s22+$0x0 ss:$0x81] =	vst.msk $0xffff, v63;
	s31 =	sand.u32 $0x7, s10;
	s21 =	sadd.s32 s23, s21;
	s20 =	sand.u32 $0x3FFFFFFF, s20  }
0x68: {  	[hbm4b:s21+s31] =	stream.linear.scatter [tilespmem:s19], [sflag:$0x2], s20, $0x20;
	[tilespmem:$0x10100] =	vst v63  }
.LBB1_6:
0x69: {  	_ =	sfence.sel $0x180000  }
0x6a: {  	s2 =	simm.s32 $0x1;
	[bflag:$0x0] =	sbarrier.arrive $0xFFFF  }
0x6b: {  	s31 =	simm.s32 $0x2;
	[sflag:s2] =	ssyncpa.u1 $0x1  }
0x6c: {  	[sflag:s31] =	ssyncpa.u1 $0x1  }
0x6d: {  	p0 =	sne.s32 s1, $0x0;
	_ =	strace $0x90000047  }
0x6e: {  	s0 =	sadd.s32 @!p0 $0x100000, s0;
	[bflag:$0x2] =	sbarrier.arrive $0xFFFF  }
0x6f: {  	[sflag:s0] =	ssyncadd.tile.s32 @!p0 $0x1;
	_ =	shalt  }
.Lfunc_end1:
_tile_overlayer_lowered:
.L_overlay_start_2:
0x70: {  	(tag) =	ssettag $0x2  }
0x71: {  	s0 =	rddreg [dreg:$0x0];
	s2 =	stileid.u32  }
0x72: {  	s1 =	rddreg [dreg:$0x1];
	p0 =	sne.s32 s2, $0x0  }
0x73: {  	s3 =	rddreg [dreg:$0x2];
	[bflag:$0x3] =	sbarrier.arrive $0xFFFF;
	s2 =	simm.s32 @!p0 $0x1C01  }
0x74: {  	[timem:s3], [sflag:s2] =	dma.local @!p0 [hbm:s0], s1  }
0x75: {  	s0 =	simm.s32 @!p0 $0x1  }
0x76: {  	_ =	swait.ge @!p0 [sflag:s0], s1  }
0x77: {  	s1 =	ssub.s32 @!p0 $0x0, s1;
	[sflag:s0] =	ssyncset.done @!p0 $0x0  }
0x78: {  	[sflag:s0] =	ssyncadd.s32 @!p0 s1  }
0x79: {  	[bflag:$0x3] =	sbarrier.arrive $0xFFFF  }
0x7a: {  	_ =	shalt  }

</sc_bundles>
